<compile_context>
chip_gen: v7x
topology: tpu7x:2x2x1
jax: 0.10.2.dev20260603
libtpu: 0.0.44.dev20260713+nightly
codegen_flags: <defaults>
</compile_context>

<pallas_src>
import functools

import jax
import jax.numpy as jnp
from jax import lax
from jax.experimental import pallas as pl
from jax.experimental.pallas import tpu as pltpu
from jax.experimental.pallas import tpu_sc as plsc

_CHUNKS = 4


def _make_sc_copy(rows, cols, dtype):
    info = plsc.get_sparse_core_info()
    nc, ns = info.num_cores, info.num_subcores
    nw = nc * ns
    r_per_w = rows // nw
    r_per_c = r_per_w // _CHUNKS
    mesh = plsc.VectorSubcoreMesh(core_axis_name="c", subcore_axis_name="s")

    @functools.partial(
        pl.kernel,
        mesh=mesh,
        out_type=jax.ShapeDtypeStruct((rows, cols), dtype),
        scratch_types=[
            pltpu.VMEM((_CHUNKS, r_per_c, cols), dtype),
            pltpu.SemaphoreType.DMA((_CHUNKS,)),
            pltpu.SemaphoreType.DMA((_CHUNKS,)),
        ],
    )
    def k(x_hbm, out_hbm, bufs, sem_in, sem_out):
        wid = lax.axis_index("s") * nc + lax.axis_index("c")
        base = wid * r_per_w
        in_copies = []
        for g in range(_CHUNKS):
            c = pltpu.make_async_copy(
                x_hbm.at[pl.ds(base + g * r_per_c, r_per_c)],
                bufs.at[g],
                sem_in.at[g],
            )
            c.start()
            in_copies.append(c)
        out_copies = []
        for g in range(_CHUNKS):
            in_copies[g].wait()
            c = pltpu.make_async_copy(
                bufs.at[g],
                out_hbm.at[pl.ds(base + g * r_per_c, r_per_c)],
                sem_out.at[g],
            )
            c.start()
            out_copies.append(c)
        for c in out_copies:
            c.wait()

    return k


def kernel(x):
    rows, cols = x.shape
    return _make_sc_copy(rows, cols, x.dtype)(x)

# --- scband reference (transcript-rebuilt; emitter-appended) ---
"""Pipeline reference for scband-spnet-26998164422824 (READ-ONLY COPY).

The authoritative reference and input builder live on the scoring server;
editing this copy changes nothing except your own understanding.
"""

import jax, jax.numpy as jnp
import numpy as np


def setup_inputs(seed: int = 0) -> dict:
    key = jax.random.key(seed)
    # SPNet is constructed with an EMPTY self.layers dict, so forward(x) iterates
    # over zero layers and returns x unchanged (identity). We feed a production-
    # scale RECSYS-shaped activation tensor: batch=16384, embed_dim=128.
    x = jax.random.normal(key, (16384, 128), dtype=jnp.float32)
    return {"x": x}


def reference(x):
    # Faithful translation of SPNet.forward: self.layers == {} in __init__,
    # so the for-loop body never executes and `out = x` is returned as-is.
    out = x
    return out

if __name__ == "__main__":
    import jax
    _d = setup_inputs()
    print(jax.jit(kernel)(*tuple(_d.values())))

</pallas_src>

<mosaic_0001>
#map = affine_map<(d0, d1) -> (0, 0)>
module attributes {stable_mosaic.version = 14 : i64} {
  func.func @k(%arg0: i32, %arg1: i32, %arg2: memref<16384x128xf32, #tpu.memory_space<hbm>>, %arg3: memref<16384x128xf32, #tpu.memory_space<hbm>>, %arg4: memref<4x128x128xf32, #tpu.memory_space<vmem>>, %arg5: memref<4x!tpu.dma_semaphore, #tpu.memory_space<semaphore_mem>>, %arg6: memref<4x!tpu.dma_semaphore, #tpu.memory_space<semaphore_mem>>) attributes {dimension_semantics = [#tpu.dimension_semantics<core_parallel>, #tpu.dimension_semantics<subcore_parallel>], iteration_bounds = array<i64: 2, 16>, scalar_prefetch = 0 : i64, scratch_operands = 3 : i64, tpu.core_type = #tpu.core_type<sc_vector_subcore>, window_params = [{transform_indices = #map}, {transform_indices = #map}]} {
    %mul3A = arith.constant 2 : i32
    %mul3A_0 = arith.muli %arg1, %mul3A : i32
    %add3A = arith.addi %mul3A_0, %arg0 : i32
    %mul3A_1 = arith.constant 512 : i32
    %mul3A_2 = arith.muli %add3A, %mul3A_1 : i32
    %add3A_3 = arith.constant 0 : i32
    %add3A_4 = arith.addi %mul3A_2, %add3A_3 : i32
    %dma_start3A = arith.constant 0 : i32
    %dma_start3A_5 = arith.constant 0 : i32
    %dma_start3A_6 = arith.constant 0 : i32
    %dma_start3A_7 = arith.constant 0 : i32
    %dma_start3A_8 = tpu.memref_slice %arg4[%dma_start3A, %dma_start3A_6, %dma_start3A_7] : memref<4x128x128xf32, #tpu.memory_space<vmem>> -> memref<1x128x128xf32, #tpu.memory_space<vmem>>
    %dma_start3A_9 = tpu.memref_squeeze %dma_start3A_8 : memref<1x128x128xf32, #tpu.memory_space<vmem>> -> memref<128x128xf32, #tpu.memory_space<vmem>>
    %dma_start3A_10 = arith.constant 0 : i32
    %dma_start3A_11 = tpu.memref_slice %arg2[%add3A_4, %dma_start3A_10] : memref<16384x128xf32, #tpu.memory_space<hbm>> -> memref<128x128xf32, #tpu.memory_space<hbm>>
    %dma_start3A_12 = tpu.memref_slice %arg5[%dma_start3A_5] : memref<4x!tpu.dma_semaphore, #tpu.memory_space<semaphore_mem>> -> memref<1x!tpu.dma_semaphore, #tpu.memory_space<semaphore_mem>>
    %dma_start3A_13 = tpu.memref_squeeze %dma_start3A_12 : memref<1x!tpu.dma_semaphore, #tpu.memory_space<semaphore_mem>> -> memref<!tpu.dma_semaphore, #tpu.memory_space<semaphore_mem>>
    %dma_start3A_14 = arith.constant 0 : i32
    %dma_start3A_15 = arith.constant 0 : i32
    %dma_start3A_16 = tpu.memref_slice %arg4[%dma_start3A, %dma_start3A_14, %dma_start3A_15] : memref<4x128x128xf32, #tpu.memory_space<vmem>> -> memref<1x128x128xf32, #tpu.memory_space<vmem>>
    %dma_start3A_17 = tpu.memref_squeeze %dma_start3A_16 : memref<1x128x128xf32, #tpu.memory_space<vmem>> -> memref<128x128xf32, #tpu.memory_space<vmem>>
    %dma_start3A_18 = arith.constant 0 : i32
    %dma_start3A_19 = tpu.memref_slice %arg2[%add3A_4, %dma_start3A_18] : memref<16384x128xf32, #tpu.memory_space<hbm>> -> memref<128x128xf32, #tpu.memory_space<hbm>>
    tpu.enqueue_dma source(%dma_start3A_19 : memref<128x128xf32, #tpu.memory_space<hbm>>) target(%dma_start3A_17 : memref<128x128xf32, #tpu.memory_space<vmem>>) target_semaphore(%dma_start3A_13 : memref<!tpu.dma_semaphore, #tpu.memory_space<semaphore_mem>>)
    %add3A_20 = arith.constant 128 : i32
    %add3A_21 = arith.addi %mul3A_2, %add3A_20 : i32
    %dma_start3A_22 = arith.constant 1 : i32
    %dma_start3A_23 = arith.constant 1 : i32
    %dma_start3A_24 = arith.constant 0 : i32
    %dma_start3A_25 = arith.constant 0 : i32
    %dma_start3A_26 = tpu.memref_slice %arg4[%dma_start3A_22, %dma_start3A_24, %dma_start3A_25] : memref<4x128x128xf32, #tpu.memory_space<vmem>> -> memref<1x128x128xf32, #tpu.memory_space<vmem>>
    %dma_start3A_27 = tpu.memref_squeeze %dma_start3A_26 : memref<1x128x128xf32, #tpu.memory_space<vmem>> -> memref<128x128xf32, #tpu.memory_space<vmem>>
    %dma_start3A_28 = arith.constant 0 : i32
    %dma_start3A_29 = tpu.memref_slice %arg2[%add3A_21, %dma_start3A_28] : memref<16384x128xf32, #tpu.memory_space<hbm>> -> memref<128x128xf32, #tpu.memory_space<hbm>>
    %dma_start3A_30 = tpu.memref_slice %arg5[%dma_start3A_23] : memref<4x!tpu.dma_semaphore, #tpu.memory_space<semaphore_mem>> -> memref<1x!tpu.dma_semaphore, #tpu.memory_space<semaphore_mem>>
    %dma_start3A_31 = tpu.memref_squeeze %dma_start3A_30 : memref<1x!tpu.dma_semaphore, #tpu.memory_space<semaphore_mem>> -> memref<!tpu.dma_semaphore, #tpu.memory_space<semaphore_mem>>
    %dma_start3A_32 = arith.constant 0 : i32
    %dma_start3A_33 = arith.constant 0 : i32
    %dma_start3A_34 = tpu.memref_slice %arg4[%dma_start3A_22, %dma_start3A_32, %dma_start3A_33] : memref<4x128x128xf32, #tpu.memory_space<vmem>> -> memref<1x128x128xf32, #tpu.memory_space<vmem>>
    %dma_start3A_35 = tpu.memref_squeeze %dma_start3A_34 : memref<1x128x128xf32, #tpu.memory_space<vmem>> -> memref<128x128xf32, #tpu.memory_space<vmem>>
    %dma_start3A_36 = arith.constant 0 : i32
    %dma_start3A_37 = tpu.memref_slice %arg2[%add3A_21, %dma_start3A_36] : memref<16384x128xf32, #tpu.memory_space<hbm>> -> memref<128x128xf32, #tpu.memory_space<hbm>>
    tpu.enqueue_dma source(%dma_start3A_37 : memref<128x128xf32, #tpu.memory_space<hbm>>) target(%dma_start3A_35 : memref<128x128xf32, #tpu.memory_space<vmem>>) target_semaphore(%dma_start3A_31 : memref<!tpu.dma_semaphore, #tpu.memory_space<semaphore_mem>>)
    %add3A_38 = arith.constant 256 : i32
    %add3A_39 = arith.addi %mul3A_2, %add3A_38 : i32
    %dma_start3A_40 = arith.constant 2 : i32
    %dma_start3A_41 = arith.constant 2 : i32
    %dma_start3A_42 = arith.constant 0 : i32
    %dma_start3A_43 = arith.constant 0 : i32
    %dma_start3A_44 = tpu.memref_slice %arg4[%dma_start3A_40, %dma_start3A_42, %dma_start3A_43] : memref<4x128x128xf32, #tpu.memory_space<vmem>> -> memref<1x128x128xf32, #tpu.memory_space<vmem>>
    %dma_start3A_45 = tpu.memref_squeeze %dma_start3A_44 : memref<1x128x128xf32, #tpu.memory_space<vmem>> -> memref<128x128xf32, #tpu.memory_space<vmem>>
    %dma_start3A_46 = arith.constant 0 : i32
    %dma_start3A_47 = tpu.memref_slice %arg2[%add3A_39, %dma_start3A_46] : memref<16384x128xf32, #tpu.memory_space<hbm>> -> memref<128x128xf32, #tpu.memory_space<hbm>>
    %dma_start3A_48 = tpu.memref_slice %arg5[%dma_start3A_41] : memref<4x!tpu.dma_semaphore, #tpu.memory_space<semaphore_mem>> -> memref<1x!tpu.dma_semaphore, #tpu.memory_space<semaphore_mem>>
    %dma_start3A_49 = tpu.memref_squeeze %dma_start3A_48 : memref<1x!tpu.dma_semaphore, #tpu.memory_space<semaphore_mem>> -> memref<!tpu.dma_semaphore, #tpu.memory_space<semaphore_mem>>
    %dma_start3A_50 = arith.constant 0 : i32
    %dma_start3A_51 = arith.constant 0 : i32
    %dma_start3A_52 = tpu.memref_slice %arg4[%dma_start3A_40, %dma_start3A_50, %dma_start3A_51] : memref<4x128x128xf32, #tpu.memory_space<vmem>> -> memref<1x128x128xf32, #tpu.memory_space<vmem>>
    %dma_start3A_53 = tpu.memref_squeeze %dma_start3A_52 : memref<1x128x128xf32, #tpu.memory_space<vmem>> -> memref<128x128xf32, #tpu.memory_space<vmem>>
    %dma_start3A_54 = arith.constant 0 : i32
    %dma_start3A_55 = tpu.memref_slice %arg2[%add3A_39, %dma_start3A_54] : memref<16384x128xf32, #tpu.memory_space<hbm>> -> memref<128x128xf32, #tpu.memory_space<hbm>>
    tpu.enqueue_dma source(%dma_start3A_55 : memref<128x128xf32, #tpu.memory_space<hbm>>) target(%dma_start3A_53 : memref<128x128xf32, #tpu.memory_space<vmem>>) target_semaphore(%dma_start3A_49 : memref<!tpu.dma_semaphore, #tpu.memory_space<semaphore_mem>>)
    %add3A_56 = arith.constant 384 : i32
    %add3A_57 = arith.addi %mul3A_2, %add3A_56 : i32
    %dma_start3A_58 = arith.constant 3 : i32
    %dma_start3A_59 = arith.constant 3 : i32
    %dma_start3A_60 = arith.constant 0 : i32
    %dma_start3A_61 = arith.constant 0 : i32
    %dma_start3A_62 = tpu.memref_slice %arg4[%dma_start3A_58, %dma_start3A_60, %dma_start3A_61] : memref<4x128x128xf32, #tpu.memory_space<vmem>> -> memref<1x128x128xf32, #tpu.memory_space<vmem>>
    %dma_start3A_63 = tpu.memref_squeeze %dma_start3A_62 : memref<1x128x128xf32, #tpu.memory_space<vmem>> -> memref<128x128xf32, #tpu.memory_space<vmem>>
    %dma_start3A_64 = arith.constant 0 : i32
    %dma_start3A_65 = tpu.memref_slice %arg2[%add3A_57, %dma_start3A_64] : memref<16384x128xf32, #tpu.memory_space<hbm>> -> memref<128x128xf32, #tpu.memory_space<hbm>>
    %dma_start3A_66 = tpu.memref_slice %arg5[%dma_start3A_59] : memref<4x!tpu.dma_semaphore, #tpu.memory_space<semaphore_mem>> -> memref<1x!tpu.dma_semaphore, #tpu.memory_space<semaphore_mem>>
    %dma_start3A_67 = tpu.memref_squeeze %dma_start3A_66 : memref<1x!tpu.dma_semaphore, #tpu.memory_space<semaphore_mem>> -> memref<!tpu.dma_semaphore, #tpu.memory_space<semaphore_mem>>
    %dma_start3A_68 = arith.constant 0 : i32
    %dma_start3A_69 = arith.constant 0 : i32
    %dma_start3A_70 = tpu.memref_slice %arg4[%dma_start3A_58, %dma_start3A_68, %dma_start3A_69] : memref<4x128x128xf32, #tpu.memory_space<vmem>> -> memref<1x128x128xf32, #tpu.memory_space<vmem>>
    %dma_start3A_71 = tpu.memref_squeeze %dma_start3A_70 : memref<1x128x128xf32, #tpu.memory_space<vmem>> -> memref<128x128xf32, #tpu.memory_space<vmem>>
    %dma_start3A_72 = arith.constant 0 : i32
    %dma_start3A_73 = tpu.memref_slice %arg2[%add3A_57, %dma_start3A_72] : memref<16384x128xf32, #tpu.memory_space<hbm>> -> memref<128x128xf32, #tpu.memory_space<hbm>>
    tpu.enqueue_dma source(%dma_start3A_73 : memref<128x128xf32, #tpu.memory_space<hbm>>) target(%dma_start3A_71 : memref<128x128xf32, #tpu.memory_space<vmem>>) target_semaphore(%dma_start3A_67 : memref<!tpu.dma_semaphore, #tpu.memory_space<semaphore_mem>>)
    %dma_wait3A = arith.constant 0 : i32
    %dma_wait3A_74 = arith.constant 0 : i32
    %dma_wait3A_75 = arith.constant 0 : i32
    %dma_wait3A_76 = arith.constant 0 : i32
    %dma_wait3A_77 = tpu.memref_slice %arg4[%dma_wait3A, %dma_wait3A_75, %dma_wait3A_76] : memref<4x128x128xf32, #tpu.memory_space<vmem>> -> memref<1x128x128xf32, #tpu.memory_space<vmem>>
    %dma_wait3A_78 = tpu.memref_squeeze %dma_wait3A_77 : memref<1x128x128xf32, #tpu.memory_space<vmem>> -> memref<128x128xf32, #tpu.memory_space<vmem>>
    %dma_wait3A_79 = arith.constant 0 : i32
    %dma_wait3A_80 = tpu.memref_slice %arg2[%add3A_4, %dma_wait3A_79] : memref<16384x128xf32, #tpu.memory_space<hbm>> -> memref<128x128xf32, #tpu.memory_space<hbm>>
    %dma_wait3A_81 = tpu.memref_slice %arg5[%dma_wait3A_74] : memref<4x!tpu.dma_semaphore, #tpu.memory_space<semaphore_mem>> -> memref<1x!tpu.dma_semaphore, #tpu.memory_space<semaphore_mem>>
    %dma_wait3A_82 = tpu.memref_squeeze %dma_wait3A_81 : memref<1x!tpu.dma_semaphore, #tpu.memory_space<semaphore_mem>> -> memref<!tpu.dma_semaphore, #tpu.memory_space<semaphore_mem>>
    %dma_wait3A_83 = arith.constant 0 : i32
    %dma_wait3A_84 = arith.constant 0 : i32
    %dma_wait3A_85 = tpu.memref_slice %arg4[%dma_wait3A, %dma_wait3A_83, %dma_wait3A_84] : memref<4x128x128xf32, #tpu.memory_space<vmem>> -> memref<1x128x128xf32, #tpu.memory_space<vmem>>
    %dma_wait3A_86 = tpu.memref_squeeze %dma_wait3A_85 : memref<1x128x128xf32, #tpu.memory_space<vmem>> -> memref<128x128xf32, #tpu.memory_space<vmem>>
    %dma_wait3A_87 = arith.constant 0 : i32
    %dma_wait3A_88 = tpu.memref_slice %arg2[%add3A_4, %dma_wait3A_87] : memref<16384x128xf32, #tpu.memory_space<hbm>> -> memref<128x128xf32, #tpu.memory_space<hbm>>
    tpu.wait_dma2 semaphore(%dma_wait3A_82 : memref<!tpu.dma_semaphore, #tpu.memory_space<semaphore_mem>>) src(%dma_wait3A_88 : memref<128x128xf32, #tpu.memory_space<hbm>>) dst(%dma_wait3A_86 : memref<128x128xf32, #tpu.memory_space<vmem>>)
    %add3A_89 = arith.constant 0 : i32
    %add3A_90 = arith.addi %mul3A_2, %add3A_89 : i32
    %dma_start3A_91 = arith.constant 0 : i32
    %dma_start3A_92 = arith.constant 0 : i32
    %dma_start3A_93 = arith.constant 0 : i32
    %dma_start3A_94 = arith.constant 0 : i32
    %dma_start3A_95 = tpu.memref_slice %arg4[%dma_start3A_91, %dma_start3A_93, %dma_start3A_94] : memref<4x128x128xf32, #tpu.memory_space<vmem>> -> memref<1x128x128xf32, #tpu.memory_space<vmem>>
    %dma_start3A_96 = tpu.memref_squeeze %dma_start3A_95 : memref<1x128x128xf32, #tpu.memory_space<vmem>> -> memref<128x128xf32, #tpu.memory_space<vmem>>
    %dma_start3A_97 = arith.constant 0 : i32
    %dma_start3A_98 = tpu.memref_slice %arg3[%add3A_90, %dma_start3A_97] : memref<16384x128xf32, #tpu.memory_space<hbm>> -> memref<128x128xf32, #tpu.memory_space<hbm>>
    %dma_start3A_99 = tpu.memref_slice %arg6[%dma_start3A_92] : memref<4x!tpu.dma_semaphore, #tpu.memory_space<semaphore_mem>> -> memref<1x!tpu.dma_semaphore, #tpu.memory_space<semaphore_mem>>
    %dma_start3A_100 = tpu.memref_squeeze %dma_start3A_99 : memref<1x!tpu.dma_semaphore, #tpu.memory_space<semaphore_mem>> -> memref<!tpu.dma_semaphore, #tpu.memory_space<semaphore_mem>>
    %dma_start3A_101 = arith.constant 0 : i32
    %dma_start3A_102 = tpu.memref_slice %arg3[%add3A_90, %dma_start3A_101] : memref<16384x128xf32, #tpu.memory_space<hbm>> -> memref<128x128xf32, #tpu.memory_space<hbm>>
    %dma_start3A_103 = arith.constant 0 : i32
    %dma_start3A_104 = arith.constant 0 : i32
    %dma_start3A_105 = tpu.memref_slice %arg4[%dma_start3A_91, %dma_start3A_103, %dma_start3A_104] : memref<4x128x128xf32, #tpu.memory_space<vmem>> -> memref<1x128x128xf32, #tpu.memory_space<vmem>>
    %dma_start3A_106 = tpu.memref_squeeze %dma_start3A_105 : memref<1x128x128xf32, #tpu.memory_space<vmem>> -> memref<128x128xf32, #tpu.memory_space<vmem>>
    tpu.enqueue_dma source(%dma_start3A_106 : memref<128x128xf32, #tpu.memory_space<vmem>>) target(%dma_start3A_102 : memref<128x128xf32, #tpu.memory_space<hbm>>) target_semaphore(%dma_start3A_100 : memref<!tpu.dma_semaphore, #tpu.memory_space<semaphore_mem>>)
    %dma_wait3A_107 = arith.constant 1 : i32
    %dma_wait3A_108 = arith.constant 1 : i32
    %dma_wait3A_109 = arith.constant 0 : i32
    %dma_wait3A_110 = arith.constant 0 : i32
    %dma_wait3A_111 = tpu.memref_slice %arg4[%dma_wait3A_107, %dma_wait3A_109, %dma_wait3A_110] : memref<4x128x128xf32, #tpu.memory_space<vmem>> -> memref<1x128x128xf32, #tpu.memory_space<vmem>>
    %dma_wait3A_112 = tpu.memref_squeeze %dma_wait3A_111 : memref<1x128x128xf32, #tpu.memory_space<vmem>> -> memref<128x128xf32, #tpu.memory_space<vmem>>
    %dma_wait3A_113 = arith.constant 0 : i32
    %dma_wait3A_114 = tpu.memref_slice %arg2[%add3A_21, %dma_wait3A_113] : memref<16384x128xf32, #tpu.memory_space<hbm>> -> memref<128x128xf32, #tpu.memory_space<hbm>>
    %dma_wait3A_115 = tpu.memref_slice %arg5[%dma_wait3A_108] : memref<4x!tpu.dma_semaphore, #tpu.memory_space<semaphore_mem>> -> memref<1x!tpu.dma_semaphore, #tpu.memory_space<semaphore_mem>>
    %dma_wait3A_116 = tpu.memref_squeeze %dma_wait3A_115 : memref<1x!tpu.dma_semaphore, #tpu.memory_space<semaphore_mem>> -> memref<!tpu.dma_semaphore, #tpu.memory_space<semaphore_mem>>
    %dma_wait3A_117 = arith.constant 0 : i32
    %dma_wait3A_118 = arith.constant 0 : i32
    %dma_wait3A_119 = tpu.memref_slice %arg4[%dma_wait3A_107, %dma_wait3A_117, %dma_wait3A_118] : memref<4x128x128xf32, #tpu.memory_space<vmem>> -> memref<1x128x128xf32, #tpu.memory_space<vmem>>
    %dma_wait3A_120 = tpu.memref_squeeze %dma_wait3A_119 : memref<1x128x128xf32, #tpu.memory_space<vmem>> -> memref<128x128xf32, #tpu.memory_space<vmem>>
    %dma_wait3A_121 = arith.constant 0 : i32
    %dma_wait3A_122 = tpu.memref_slice %arg2[%add3A_21, %dma_wait3A_121] : memref<16384x128xf32, #tpu.memory_space<hbm>> -> memref<128x128xf32, #tpu.memory_space<hbm>>
    tpu.wait_dma2 semaphore(%dma_wait3A_116 : memref<!tpu.dma_semaphore, #tpu.memory_space<semaphore_mem>>) src(%dma_wait3A_122 : memref<128x128xf32, #tpu.memory_space<hbm>>) dst(%dma_wait3A_120 : memref<128x128xf32, #tpu.memory_space<vmem>>)
    %add3A_123 = arith.constant 128 : i32
    %add3A_124 = arith.addi %mul3A_2, %add3A_123 : i32
    %dma_start3A_125 = arith.constant 1 : i32
    %dma_start3A_126 = arith.constant 1 : i32
    %dma_start3A_127 = arith.constant 0 : i32
    %dma_start3A_128 = arith.constant 0 : i32
    %dma_start3A_129 = tpu.memref_slice %arg4[%dma_start3A_125, %dma_start3A_127, %dma_start3A_128] : memref<4x128x128xf32, #tpu.memory_space<vmem>> -> memref<1x128x128xf32, #tpu.memory_space<vmem>>
    %dma_start3A_130 = tpu.memref_squeeze %dma_start3A_129 : memref<1x128x128xf32, #tpu.memory_space<vmem>> -> memref<128x128xf32, #tpu.memory_space<vmem>>
    %dma_start3A_131 = arith.constant 0 : i32
    %dma_start3A_132 = tpu.memref_slice %arg3[%add3A_124, %dma_start3A_131] : memref<16384x128xf32, #tpu.memory_space<hbm>> -> memref<128x128xf32, #tpu.memory_space<hbm>>
    %dma_start3A_133 = tpu.memref_slice %arg6[%dma_start3A_126] : memref<4x!tpu.dma_semaphore, #tpu.memory_space<semaphore_mem>> -> memref<1x!tpu.dma_semaphore, #tpu.memory_space<semaphore_mem>>
    %dma_start3A_134 = tpu.memref_squeeze %dma_start3A_133 : memref<1x!tpu.dma_semaphore, #tpu.memory_space<semaphore_mem>> -> memref<!tpu.dma_semaphore, #tpu.memory_space<semaphore_mem>>
    %dma_start3A_135 = arith.constant 0 : i32
    %dma_start3A_136 = tpu.memref_slice %arg3[%add3A_124, %dma_start3A_135] : memref<16384x128xf32, #tpu.memory_space<hbm>> -> memref<128x128xf32, #tpu.memory_space<hbm>>
    %dma_start3A_137 = arith.constant 0 : i32
    %dma_start3A_138 = arith.constant 0 : i32
    %dma_start3A_139 = tpu.memref_slice %arg4[%dma_start3A_125, %dma_start3A_137, %dma_start3A_138] : memref<4x128x128xf32, #tpu.memory_space<vmem>> -> memref<1x128x128xf32, #tpu.memory_space<vmem>>
    %dma_start3A_140 = tpu.memref_squeeze %dma_start3A_139 : memref<1x128x128xf32, #tpu.memory_space<vmem>> -> memref<128x128xf32, #tpu.memory_space<vmem>>
    tpu.enqueue_dma source(%dma_start3A_140 : memref<128x128xf32, #tpu.memory_space<vmem>>) target(%dma_start3A_136 : memref<128x128xf32, #tpu.memory_space<hbm>>) target_semaphore(%dma_start3A_134 : memref<!tpu.dma_semaphore, #tpu.memory_space<semaphore_mem>>)
    %dma_wait3A_141 = arith.constant 2 : i32
    %dma_wait3A_142 = arith.constant 2 : i32
    %dma_wait3A_143 = arith.constant 0 : i32
    %dma_wait3A_144 = arith.constant 0 : i32
    %dma_wait3A_145 = tpu.memref_slice %arg4[%dma_wait3A_141, %dma_wait3A_143, %dma_wait3A_144] : memref<4x128x128xf32, #tpu.memory_space<vmem>> -> memref<1x128x128xf32, #tpu.memory_space<vmem>>
    %dma_wait3A_146 = tpu.memref_squeeze %dma_wait3A_145 : memref<1x128x128xf32, #tpu.memory_space<vmem>> -> memref<128x128xf32, #tpu.memory_space<vmem>>
    %dma_wait3A_147 = arith.constant 0 : i32
    %dma_wait3A_148 = tpu.memref_slice %arg2[%add3A_39, %dma_wait3A_147] : memref<16384x128xf32, #tpu.memory_space<hbm>> -> memref<128x128xf32, #tpu.memory_space<hbm>>
    %dma_wait3A_149 = tpu.memref_slice %arg5[%dma_wait3A_142] : memref<4x!tpu.dma_semaphore, #tpu.memory_space<semaphore_mem>> -> memref<1x!tpu.dma_semaphore, #tpu.memory_space<semaphore_mem>>
    %dma_wait3A_150 = tpu.memref_squeeze %dma_wait3A_149 : memref<1x!tpu.dma_semaphore, #tpu.memory_space<semaphore_mem>> -> memref<!tpu.dma_semaphore, #tpu.memory_space<semaphore_mem>>
    %dma_wait3A_151 = arith.constant 0 : i32
    %dma_wait3A_152 = arith.constant 0 : i32
    %dma_wait3A_153 = tpu.memref_slice %arg4[%dma_wait3A_141, %dma_wait3A_151, %dma_wait3A_152] : memref<4x128x128xf32, #tpu.memory_space<vmem>> -> memref<1x128x128xf32, #tpu.memory_space<vmem>>
    %dma_wait3A_154 = tpu.memref_squeeze %dma_wait3A_153 : memref<1x128x128xf32, #tpu.memory_space<vmem>> -> memref<128x128xf32, #tpu.memory_space<vmem>>
    %dma_wait3A_155 = arith.constant 0 : i32
    %dma_wait3A_156 = tpu.memref_slice %arg2[%add3A_39, %dma_wait3A_155] : memref<16384x128xf32, #tpu.memory_space<hbm>> -> memref<128x128xf32, #tpu.memory_space<hbm>>
    tpu.wait_dma2 semaphore(%dma_wait3A_150 : memref<!tpu.dma_semaphore, #tpu.memory_space<semaphore_mem>>) src(%dma_wait3A_156 : memref<128x128xf32, #tpu.memory_space<hbm>>) dst(%dma_wait3A_154 : memref<128x128xf32, #tpu.memory_space<vmem>>)
    %add3A_157 = arith.constant 256 : i32
    %add3A_158 = arith.addi %mul3A_2, %add3A_157 : i32
    %dma_start3A_159 = arith.constant 2 : i32
    %dma_start3A_160 = arith.constant 2 : i32
    %dma_start3A_161 = arith.constant 0 : i32
    %dma_start3A_162 = arith.constant 0 : i32
    %dma_start3A_163 = tpu.memref_slice %arg4[%dma_start3A_159, %dma_start3A_161, %dma_start3A_162] : memref<4x128x128xf32, #tpu.memory_space<vmem>> -> memref<1x128x128xf32, #tpu.memory_space<vmem>>
    %dma_start3A_164 = tpu.memref_squeeze %dma_start3A_163 : memref<1x128x128xf32, #tpu.memory_space<vmem>> -> memref<128x128xf32, #tpu.memory_space<vmem>>
    %dma_start3A_165 = arith.constant 0 : i32
    %dma_start3A_166 = tpu.memref_slice %arg3[%add3A_158, %dma_start3A_165] : memref<16384x128xf32, #tpu.memory_space<hbm>> -> memref<128x128xf32, #tpu.memory_space<hbm>>
    %dma_start3A_167 = tpu.memref_slice %arg6[%dma_start3A_160] : memref<4x!tpu.dma_semaphore, #tpu.memory_space<semaphore_mem>> -> memref<1x!tpu.dma_semaphore, #tpu.memory_space<semaphore_mem>>
    %dma_start3A_168 = tpu.memref_squeeze %dma_start3A_167 : memref<1x!tpu.dma_semaphore, #tpu.memory_space<semaphore_mem>> -> memref<!tpu.dma_semaphore, #tpu.memory_space<semaphore_mem>>
    %dma_start3A_169 = arith.constant 0 : i32
    %dma_start3A_170 = tpu.memref_slice %arg3[%add3A_158, %dma_start3A_169] : memref<16384x128xf32, #tpu.memory_space<hbm>> -> memref<128x128xf32, #tpu.memory_space<hbm>>
    %dma_start3A_171 = arith.constant 0 : i32
    %dma_start3A_172 = arith.constant 0 : i32
    %dma_start3A_173 = tpu.memref_slice %arg4[%dma_start3A_159, %dma_start3A_171, %dma_start3A_172] : memref<4x128x128xf32, #tpu.memory_space<vmem>> -> memref<1x128x128xf32, #tpu.memory_space<vmem>>
    %dma_start3A_174 = tpu.memref_squeeze %dma_start3A_173 : memref<1x128x128xf32, #tpu.memory_space<vmem>> -> memref<128x128xf32, #tpu.memory_space<vmem>>
    tpu.enqueue_dma source(%dma_start3A_174 : memref<128x128xf32, #tpu.memory_space<vmem>>) target(%dma_start3A_170 : memref<128x128xf32, #tpu.memory_space<hbm>>) target_semaphore(%dma_start3A_168 : memref<!tpu.dma_semaphore, #tpu.memory_space<semaphore_mem>>)
    %dma_wait3A_175 = arith.constant 3 : i32
    %dma_wait3A_176 = arith.constant 3 : i32
    %dma_wait3A_177 = arith.constant 0 : i32
    %dma_wait3A_178 = arith.constant 0 : i32
    %dma_wait3A_179 = tpu.memref_slice %arg4[%dma_wait3A_175, %dma_wait3A_177, %dma_wait3A_178] : memref<4x128x128xf32, #tpu.memory_space<vmem>> -> memref<1x128x128xf32, #tpu.memory_space<vmem>>
    %dma_wait3A_180 = tpu.memref_squeeze %dma_wait3A_179 : memref<1x128x128xf32, #tpu.memory_space<vmem>> -> memref<128x128xf32, #tpu.memory_space<vmem>>
    %dma_wait3A_181 = arith.constant 0 : i32
    %dma_wait3A_182 = tpu.memref_slice %arg2[%add3A_57, %dma_wait3A_181] : memref<16384x128xf32, #tpu.memory_space<hbm>> -> memref<128x128xf32, #tpu.memory_space<hbm>>
    %dma_wait3A_183 = tpu.memref_slice %arg5[%dma_wait3A_176] : memref<4x!tpu.dma_semaphore, #tpu.memory_space<semaphore_mem>> -> memref<1x!tpu.dma_semaphore, #tpu.memory_space<semaphore_mem>>
    %dma_wait3A_184 = tpu.memref_squeeze %dma_wait3A_183 : memref<1x!tpu.dma_semaphore, #tpu.memory_space<semaphore_mem>> -> memref<!tpu.dma_semaphore, #tpu.memory_space<semaphore_mem>>
    %dma_wait3A_185 = arith.constant 0 : i32
    %dma_wait3A_186 = arith.constant 0 : i32
    %dma_wait3A_187 = tpu.memref_slice %arg4[%dma_wait3A_175, %dma_wait3A_185, %dma_wait3A_186] : memref<4x128x128xf32, #tpu.memory_space<vmem>> -> memref<1x128x128xf32, #tpu.memory_space<vmem>>
    %dma_wait3A_188 = tpu.memref_squeeze %dma_wait3A_187 : memref<1x128x128xf32, #tpu.memory_space<vmem>> -> memref<128x128xf32, #tpu.memory_space<vmem>>
    %dma_wait3A_189 = arith.constant 0 : i32
    %dma_wait3A_190 = tpu.memref_slice %arg2[%add3A_57, %dma_wait3A_189] : memref<16384x128xf32, #tpu.memory_space<hbm>> -> memref<128x128xf32, #tpu.memory_space<hbm>>
    tpu.wait_dma2 semaphore(%dma_wait3A_184 : memref<!tpu.dma_semaphore, #tpu.memory_space<semaphore_mem>>) src(%dma_wait3A_190 : memref<128x128xf32, #tpu.memory_space<hbm>>) dst(%dma_wait3A_188 : memref<128x128xf32, #tpu.memory_space<vmem>>)
    %add3A_191 = arith.constant 384 : i32
    %add3A_192 = arith.addi %mul3A_2, %add3A_191 : i32
    %dma_start3A_193 = arith.constant 3 : i32
    %dma_start3A_194 = arith.constant 3 : i32
    %dma_start3A_195 = arith.constant 0 : i32
    %dma_start3A_196 = arith.constant 0 : i32
    %dma_start3A_197 = tpu.memref_slice %arg4[%dma_start3A_193, %dma_start3A_195, %dma_start3A_196] : memref<4x128x128xf32, #tpu.memory_space<vmem>> -> memref<1x128x128xf32, #tpu.memory_space<vmem>>
    %dma_start3A_198 = tpu.memref_squeeze %dma_start3A_197 : memref<1x128x128xf32, #tpu.memory_space<vmem>> -> memref<128x128xf32, #tpu.memory_space<vmem>>
    %dma_start3A_199 = arith.constant 0 : i32
    %dma_start3A_200 = tpu.memref_slice %arg3[%add3A_192, %dma_start3A_199] : memref<16384x128xf32, #tpu.memory_space<hbm>> -> memref<128x128xf32, #tpu.memory_space<hbm>>
    %dma_start3A_201 = tpu.memref_slice %arg6[%dma_start3A_194] : memref<4x!tpu.dma_semaphore, #tpu.memory_space<semaphore_mem>> -> memref<1x!tpu.dma_semaphore, #tpu.memory_space<semaphore_mem>>
    %dma_start3A_202 = tpu.memref_squeeze %dma_start3A_201 : memref<1x!tpu.dma_semaphore, #tpu.memory_space<semaphore_mem>> -> memref<!tpu.dma_semaphore, #tpu.memory_space<semaphore_mem>>
    %dma_start3A_203 = arith.constant 0 : i32
    %dma_start3A_204 = tpu.memref_slice %arg3[%add3A_192, %dma_start3A_203] : memref<16384x128xf32, #tpu.memory_space<hbm>> -> memref<128x128xf32, #tpu.memory_space<hbm>>
    %dma_start3A_205 = arith.constant 0 : i32
    %dma_start3A_206 = arith.constant 0 : i32
    %dma_start3A_207 = tpu.memref_slice %arg4[%dma_start3A_193, %dma_start3A_205, %dma_start3A_206] : memref<4x128x128xf32, #tpu.memory_space<vmem>> -> memref<1x128x128xf32, #tpu.memory_space<vmem>>
    %dma_start3A_208 = tpu.memref_squeeze %dma_start3A_207 : memref<1x128x128xf32, #tpu.memory_space<vmem>> -> memref<128x128xf32, #tpu.memory_space<vmem>>
    tpu.enqueue_dma source(%dma_start3A_208 : memref<128x128xf32, #tpu.memory_space<vmem>>) target(%dma_start3A_204 : memref<128x128xf32, #tpu.memory_space<hbm>>) target_semaphore(%dma_start3A_202 : memref<!tpu.dma_semaphore, #tpu.memory_space<semaphore_mem>>)
    %dma_wait3A_209 = arith.constant 0 : i32
    %dma_wait3A_210 = arith.constant 0 : i32
    %dma_wait3A_211 = arith.constant 0 : i32
    %dma_wait3A_212 = arith.constant 0 : i32
    %dma_wait3A_213 = tpu.memref_slice %arg4[%dma_wait3A_209, %dma_wait3A_211, %dma_wait3A_212] : memref<4x128x128xf32, #tpu.memory_space<vmem>> -> memref<1x128x128xf32, #tpu.memory_space<vmem>>
    %dma_wait3A_214 = tpu.memref_squeeze %dma_wait3A_213 : memref<1x128x128xf32, #tpu.memory_space<vmem>> -> memref<128x128xf32, #tpu.memory_space<vmem>>
    %dma_wait3A_215 = arith.constant 0 : i32
    %dma_wait3A_216 = tpu.memref_slice %arg3[%add3A_90, %dma_wait3A_215] : memref<16384x128xf32, #tpu.memory_space<hbm>> -> memref<128x128xf32, #tpu.memory_space<hbm>>
    %dma_wait3A_217 = tpu.memref_slice %arg6[%dma_wait3A_210] : memref<4x!tpu.dma_semaphore, #tpu.memory_space<semaphore_mem>> -> memref<1x!tpu.dma_semaphore, #tpu.memory_space<semaphore_mem>>
    %dma_wait3A_218 = tpu.memref_squeeze %dma_wait3A_217 : memref<1x!tpu.dma_semaphore, #tpu.memory_space<semaphore_mem>> -> memref<!tpu.dma_semaphore, #tpu.memory_space<semaphore_mem>>
    %dma_wait3A_219 = arith.constant 0 : i32
    %dma_wait3A_220 = tpu.memref_slice %arg3[%add3A_90, %dma_wait3A_219] : memref<16384x128xf32, #tpu.memory_space<hbm>> -> memref<128x128xf32, #tpu.memory_space<hbm>>
    %dma_wait3A_221 = arith.constant 0 : i32
    %dma_wait3A_222 = arith.constant 0 : i32
    %dma_wait3A_223 = tpu.memref_slice %arg4[%dma_wait3A_209, %dma_wait3A_221, %dma_wait3A_222] : memref<4x128x128xf32, #tpu.memory_space<vmem>> -> memref<1x128x128xf32, #tpu.memory_space<vmem>>
    %dma_wait3A_224 = tpu.memref_squeeze %dma_wait3A_223 : memref<1x128x128xf32, #tpu.memory_space<vmem>> -> memref<128x128xf32, #tpu.memory_space<vmem>>
    tpu.wait_dma2 semaphore(%dma_wait3A_218 : memref<!tpu.dma_semaphore, #tpu.memory_space<semaphore_mem>>) src(%dma_wait3A_224 : memref<128x128xf32, #tpu.memory_space<vmem>>) dst(%dma_wait3A_220 : memref<128x128xf32, #tpu.memory_space<hbm>>)
    %dma_wait3A_225 = arith.constant 1 : i32
    %dma_wait3A_226 = arith.constant 1 : i32
    %dma_wait3A_227 = arith.constant 0 : i32
    %dma_wait3A_228 = arith.constant 0 : i32
    %dma_wait3A_229 = tpu.memref_slice %arg4[%dma_wait3A_225, %dma_wait3A_227, %dma_wait3A_228] : memref<4x128x128xf32, #tpu.memory_space<vmem>> -> memref<1x128x128xf32, #tpu.memory_space<vmem>>
    %dma_wait3A_230 = tpu.memref_squeeze %dma_wait3A_229 : memref<1x128x128xf32, #tpu.memory_space<vmem>> -> memref<128x128xf32, #tpu.memory_space<vmem>>
    %dma_wait3A_231 = arith.constant 0 : i32
    %dma_wait3A_232 = tpu.memref_slice %arg3[%add3A_124, %dma_wait3A_231] : memref<16384x128xf32, #tpu.memory_space<hbm>> -> memref<128x128xf32, #tpu.memory_space<hbm>>
    %dma_wait3A_233 = tpu.memref_slice %arg6[%dma_wait3A_226] : memref<4x!tpu.dma_semaphore, #tpu.memory_space<semaphore_mem>> -> memref<1x!tpu.dma_semaphore, #tpu.memory_space<semaphore_mem>>
    %dma_wait3A_234 = tpu.memref_squeeze %dma_wait3A_233 : memref<1x!tpu.dma_semaphore, #tpu.memory_space<semaphore_mem>> -> memref<!tpu.dma_semaphore, #tpu.memory_space<semaphore_mem>>
    %dma_wait3A_235 = arith.constant 0 : i32
    %dma_wait3A_236 = tpu.memref_slice %arg3[%add3A_124, %dma_wait3A_235] : memref<16384x128xf32, #tpu.memory_space<hbm>> -> memref<128x128xf32, #tpu.memory_space<hbm>>
    %dma_wait3A_237 = arith.constant 0 : i32
    %dma_wait3A_238 = arith.constant 0 : i32
    %dma_wait3A_239 = tpu.memref_slice %arg4[%dma_wait3A_225, %dma_wait3A_237, %dma_wait3A_238] : memref<4x128x128xf32, #tpu.memory_space<vmem>> -> memref<1x128x128xf32, #tpu.memory_space<vmem>>
    %dma_wait3A_240 = tpu.memref_squeeze %dma_wait3A_239 : memref<1x128x128xf32, #tpu.memory_space<vmem>> -> memref<128x128xf32, #tpu.memory_space<vmem>>
    tpu.wait_dma2 semaphore(%dma_wait3A_234 : memref<!tpu.dma_semaphore, #tpu.memory_space<semaphore_mem>>) src(%dma_wait3A_240 : memref<128x128xf32, #tpu.memory_space<vmem>>) dst(%dma_wait3A_236 : memref<128x128xf32, #tpu.memory_space<hbm>>)
    %dma_wait3A_241 = arith.constant 2 : i32
    %dma_wait3A_242 = arith.constant 2 : i32
    %dma_wait3A_243 = arith.constant 0 : i32
    %dma_wait3A_244 = arith.constant 0 : i32
    %dma_wait3A_245 = tpu.memref_slice %arg4[%dma_wait3A_241, %dma_wait3A_243, %dma_wait3A_244] : memref<4x128x128xf32, #tpu.memory_space<vmem>> -> memref<1x128x128xf32, #tpu.memory_space<vmem>>
    %dma_wait3A_246 = tpu.memref_squeeze %dma_wait3A_245 : memref<1x128x128xf32, #tpu.memory_space<vmem>> -> memref<128x128xf32, #tpu.memory_space<vmem>>
    %dma_wait3A_247 = arith.constant 0 : i32
    %dma_wait3A_248 = tpu.memref_slice %arg3[%add3A_158, %dma_wait3A_247] : memref<16384x128xf32, #tpu.memory_space<hbm>> -> memref<128x128xf32, #tpu.memory_space<hbm>>
    %dma_wait3A_249 = tpu.memref_slice %arg6[%dma_wait3A_242] : memref<4x!tpu.dma_semaphore, #tpu.memory_space<semaphore_mem>> -> memref<1x!tpu.dma_semaphore, #tpu.memory_space<semaphore_mem>>
    %dma_wait3A_250 = tpu.memref_squeeze %dma_wait3A_249 : memref<1x!tpu.dma_semaphore, #tpu.memory_space<semaphore_mem>> -> memref<!tpu.dma_semaphore, #tpu.memory_space<semaphore_mem>>
    %dma_wait3A_251 = arith.constant 0 : i32
    %dma_wait3A_252 = tpu.memref_slice %arg3[%add3A_158, %dma_wait3A_251] : memref<16384x128xf32, #tpu.memory_space<hbm>> -> memref<128x128xf32, #tpu.memory_space<hbm>>
    %dma_wait3A_253 = arith.constant 0 : i32
    %dma_wait3A_254 = arith.constant 0 : i32
    %dma_wait3A_255 = tpu.memref_slice %arg4[%dma_wait3A_241, %dma_wait3A_253, %dma_wait3A_254] : memref<4x128x128xf32, #tpu.memory_space<vmem>> -> memref<1x128x128xf32, #tpu.memory_space<vmem>>
    %dma_wait3A_256 = tpu.memref_squeeze %dma_wait3A_255 : memref<1x128x128xf32, #tpu.memory_space<vmem>> -> memref<128x128xf32, #tpu.memory_space<vmem>>
    tpu.wait_dma2 semaphore(%dma_wait3A_250 : memref<!tpu.dma_semaphore, #tpu.memory_space<semaphore_mem>>) src(%dma_wait3A_256 : memref<128x128xf32, #tpu.memory_space<vmem>>) dst(%dma_wait3A_252 : memref<128x128xf32, #tpu.memory_space<hbm>>)
    %dma_wait3A_257 = arith.constant 3 : i32
    %dma_wait3A_258 = arith.constant 3 : i32
    %dma_wait3A_259 = arith.constant 0 : i32
    %dma_wait3A_260 = arith.constant 0 : i32
    %dma_wait3A_261 = tpu.memref_slice %arg4[%dma_wait3A_257, %dma_wait3A_259, %dma_wait3A_260] : memref<4x128x128xf32, #tpu.memory_space<vmem>> -> memref<1x128x128xf32, #tpu.memory_space<vmem>>
    %dma_wait3A_262 = tpu.memref_squeeze %dma_wait3A_261 : memref<1x128x128xf32, #tpu.memory_space<vmem>> -> memref<128x128xf32, #tpu.memory_space<vmem>>
    %dma_wait3A_263 = arith.constant 0 : i32
    %dma_wait3A_264 = tpu.memref_slice %arg3[%add3A_192, %dma_wait3A_263] : memref<16384x128xf32, #tpu.memory_space<hbm>> -> memref<128x128xf32, #tpu.memory_space<hbm>>
    %dma_wait3A_265 = tpu.memref_slice %arg6[%dma_wait3A_258] : memref<4x!tpu.dma_semaphore, #tpu.memory_space<semaphore_mem>> -> memref<1x!tpu.dma_semaphore, #tpu.memory_space<semaphore_mem>>
    %dma_wait3A_266 = tpu.memref_squeeze %dma_wait3A_265 : memref<1x!tpu.dma_semaphore, #tpu.memory_space<semaphore_mem>> -> memref<!tpu.dma_semaphore, #tpu.memory_space<semaphore_mem>>
    %dma_wait3A_267 = arith.constant 0 : i32
    %dma_wait3A_268 = tpu.memref_slice %arg3[%add3A_192, %dma_wait3A_267] : memref<16384x128xf32, #tpu.memory_space<hbm>> -> memref<128x128xf32, #tpu.memory_space<hbm>>
    %dma_wait3A_269 = arith.constant 0 : i32
    %dma_wait3A_270 = arith.constant 0 : i32
    %dma_wait3A_271 = tpu.memref_slice %arg4[%dma_wait3A_257, %dma_wait3A_269, %dma_wait3A_270] : memref<4x128x128xf32, #tpu.memory_space<vmem>> -> memref<1x128x128xf32, #tpu.memory_space<vmem>>
    %dma_wait3A_272 = tpu.memref_squeeze %dma_wait3A_271 : memref<1x128x128xf32, #tpu.memory_space<vmem>> -> memref<128x128xf32, #tpu.memory_space<vmem>>
    tpu.wait_dma2 semaphore(%dma_wait3A_266 : memref<!tpu.dma_semaphore, #tpu.memory_space<semaphore_mem>>) src(%dma_wait3A_272 : memref<128x128xf32, #tpu.memory_space<vmem>>) dst(%dma_wait3A_268 : memref<128x128xf32, #tpu.memory_space<hbm>>)
    return
  }
}

</mosaic_0001>

<sc_bundles>
// kernel: kernel.3.cloned.1.call-start
scs
__scs_entry_jumppad:
0x0: {  	(pc) =	sbr.rel $0x88, $3  }
0x1: {  	(tag) =	ssettag $0x0;
	lr =	simm.s32 $0x1  }
0x2: {  	[smem:$0x3FA0] =	sst lr;
	_ =	strace $0xD0000000  }
0x3: {  	_ = 	snop  }
0x4: {  	_ = 	snop  }
0x5: {  	_ = 	snop  }
0x6: {  	_ = 	snop  }
0x7: {  	_ = 	snop  }
__scs_overlays_trampoline_lowered:
0x8: {  	[smem:$0x3FAF] =	sst s0  }
0x9: {  	[smem:$0x3FB0] =	sst s1  }
0xa: {  	[smem:$0x3FB1] =	sst s2  }
0xb: {  	[smem:$0x3FB2] =	sst s3  }
0xc: {  	[smem:$0x3FB3] =	sst s4  }
0xd: {  	[smem:$0x3FB4] =	sst s5  }
0xe: {  	[smem:$0x3FB5] =	sst s6  }
0xf: {  	[smem:$0x3FB6] =	sst s7  }
0x10: {  	[smem:$0x3FB7] =	sst s8  }
0x11: {  	[smem:$0x3FB8] =	sst s9;
	s0 =	simm.s32 @!p0 $0x0  }
0x12: {  	s1 =	sld [smem:$0x3F9E];
	s0 =	simm.s32 @p0 $0x1  }
0x13: {  	[smem:$0x3FB9] =	sst s0;
	s0 =	simm.s32 @!p1 $0x0  }
0x14: {  	s2 =	sld [smem:$0x3F9D];
	s0 =	simm.s32 @p1 $0x1  }
0x15: {  	[smem:$0x3FBA] =	sst s0;
	s0 =	simm.s32 @!p2 $0x0  }
0x16: {  	s3 =	sld [smem:$0x3FDB];
	s0 =	simm.s32 @p2 $0x1  }
0x17: {  	s4 =	simm.s32 $0x1BF5;
	[smem:$0x3FBC] =	sst s0  }
0x18: {  	s0 =	sld [smem:$0x3F9F];
	_ =	swait.ge [sflag:s4], $0x0  }
0x19: {  	s7 =	sld [smem:$0x3FA0]  }
0x1a: {  	s8 =	sadd.s32 $0xFFFFE003, lr  }
0x1b: {  	s9 =	sadd.s32 $0xFFFFFEF7, lr;
	s5 =	simm.s32 $0xFFFFFFFF;
	p2 =	slt.u32 s8, $0xFFFFF086  }
0x1c: {  	p1 =	slt.u32 s9, $0xF7A;
	s5 =	simm.s32 @!p2 $0x0  }
0x1d: {  	s5 =	simm.s32 @p1 $0x1;
	p0 =	seq.s32 s7, s2  }
0x1e: {  	s7 =	smul.u32 @!p0 $0xF7A, s2;
	p2 =	seq.s32 @!p0 s5, $0x0  }
0x1f: {  	s9 =	smul.u32 $0xF7A, s1;
	s8 =	simm.s32 @!p0 $0x1BF5;
	p2 =	por !p2, p0  }
0x20: {  	[sflag:s8] =	ssyncset.s32 @!p0 $0xFFFFF086;
	s6 =	sadd.s32 @!p0 s3, s7;
	s7 =	simm.s32 @!p0 $0x108  }
0x21: {  	s3 =	sadd.s32 s3, s9;
	s6 =	sadd.s32 @!p0 $0x88, s6;
	s7 =	simm.s32 @p2 $0x1082  }
0x22: {  	[simem:s7], [sflag:s8] =	dma.local @!p0 [hbm:s6], $0xF7A  }
0x23: {  	s9 =	sor.u32 $0xD0000000, s2;
	s6 =	simm.s32 $0x108;
	_ =	swait.ge @!p0 [sflag:s8], $0x0  }
0x24: {  	s3 =	sadd.s32 $0x88, s3;
	s6 =	simm.s32 @!p1 $0x1082;
	[sflag:s4] =	ssyncset.s32 $0xFFFFF086  }
0x25: {  	[simem:s6], [sflag:s4] =	dma.local [hbm:s3], $0xF7A  }
0x26: {  	[smem:$0x3FA0] =	sst s1;
	(tag) =	ssettag s2;
	_ =	strace s9  }
0x27: {  	s1 =	sld [smem:$0x3FB0]  }
0x28: {  	s2 =	sld [smem:$0x3FB1]  }
0x29: {  	s4 =	sld [smem:$0x3FB3]  }
0x2a: {  	p0 =	seq.s32 s5, $0x0;
	s5 =	sld [smem:$0x3FB4]  }
0x2b: {  	s6 =	sld [smem:$0x3FB5]  }
0x2c: {  	s7 =	sld [smem:$0x3FB6]  }
0x2d: {  	s3 =	simm.s32 $0x108;
	s8 =	sld [smem:$0x3FB7]  }
0x2e: {  	s3 =	simm.s32 @!p0 $0x1082;
	s9 =	sld [smem:$0x3FB8]  }
0x2f: {  	lr =	sadd.s32 s0, s3;
	s0 =	sld [smem:$0x3FAF]  }
0x30: {  	s3 =	sld [smem:$0x3FB2]  }
0x31: {  	[smem:$0x3FBB] =	sst s10  }
0x32: {  	s10 =	sld [smem:$0x3FB9];
	_ =	sdelay $0x3  }
0x33: {  	p0 =	seq.s32 s10, $0x1;
	s10 =	sld [smem:$0x3FBB];
	_ =	sdelay $0x3  }
0x34: {  	[smem:$0x3FBB] =	sst s10  }
0x35: {  	s10 =	sld [smem:$0x3FBA];
	_ =	sdelay $0x3  }
0x36: {  	p1 =	seq.s32 s10, $0x1;
	s10 =	sld [smem:$0x3FBB];
	_ =	sdelay $0x3  }
0x37: {  	[smem:$0x3FBB] =	sst s10  }
0x38: {  	s10 =	sld [smem:$0x3FBC]  }
0x39: {  	_ = 	snop;
	(pc) =	sbr.ind lr, $3  }
0x3a: {  	_ = 	snop  }
0x3b: {  	_ = 	snop  }
0x3c: {  	p2 =	seq.s32 s10, $0x1;
	s10 =	sld [smem:$0x3FBB]  }
0x3d: {  	_ =	shalt  }
0x3e: {  	_ =	shalt  }
0x3f: {  	_ =	shalt  }
0x40: {  	_ =	shalt  }
0x41: {  	_ =	shalt  }
0x42: {  	_ =	shalt  }
0x43: {  	_ =	shalt  }
0x44: {  	_ =	shalt  }
0x45: {  	_ =	shalt  }
0x46: {  	_ =	shalt  }
0x47: {  	_ =	shalt  }
0x48: {  	_ =	shalt  }
0x49: {  	_ =	shalt  }
0x4a: {  	_ =	shalt  }
0x4b: {  	_ =	shalt  }
0x4c: {  	_ =	shalt  }
0x4d: {  	_ =	shalt  }
0x4e: {  	_ =	shalt  }
0x4f: {  	_ =	shalt  }
0x50: {  	_ =	shalt  }
0x51: {  	_ =	shalt  }
0x52: {  	_ =	shalt  }
0x53: {  	_ =	shalt  }
0x54: {  	_ =	shalt  }
0x55: {  	_ =	shalt  }
0x56: {  	_ =	shalt  }
0x57: {  	_ =	shalt  }
0x58: {  	_ =	shalt  }
0x59: {  	_ =	shalt  }
0x5a: {  	_ =	shalt  }
0x5b: {  	_ =	shalt  }
0x5c: {  	_ =	shalt  }
0x5d: {  	_ =	shalt  }
0x5e: {  	_ =	shalt  }
0x5f: {  	_ =	shalt  }
0x60: {  	_ =	shalt  }
0x61: {  	_ =	shalt  }
0x62: {  	_ =	shalt  }
0x63: {  	_ =	shalt  }
0x64: {  	_ =	shalt  }
0x65: {  	_ =	shalt  }
0x66: {  	_ =	shalt  }
0x67: {  	_ =	shalt  }
0x68: {  	_ =	shalt  }
0x69: {  	_ =	shalt  }
0x6a: {  	_ =	shalt  }
0x6b: {  	_ =	shalt  }
0x6c: {  	_ =	shalt  }
0x6d: {  	_ =	shalt  }
0x6e: {  	_ =	shalt  }
0x6f: {  	_ =	shalt  }
0x70: {  	_ =	shalt  }
0x71: {  	_ =	shalt  }
0x72: {  	_ =	shalt  }
0x73: {  	_ =	shalt  }
0x74: {  	_ =	shalt  }
0x75: {  	_ =	shalt  }
0x76: {  	_ =	shalt  }
0x77: {  	_ =	shalt  }
0x78: {  	_ =	shalt  }
0x79: {  	_ =	shalt  }
0x7a: {  	_ =	shalt  }
0x7b: {  	_ =	shalt  }
0x7c: {  	_ =	shalt  }
0x7d: {  	_ =	shalt  }
0x7e: {  	_ =	shalt  }
0x7f: {  	_ =	shalt  }
0x80: {  	_ =	shalt  }
0x81: {  	_ =	shalt  }
0x82: {  	_ =	shalt  }
0x83: {  	_ =	shalt  }
0x84: {  	_ =	shalt  }
0x85: {  	_ =	shalt  }
0x86: {  	_ =	shalt  }
0x87: {  	_ =	shalt  }
.Lfunc_end0:
.L_simem_size_0:
called_computation_lowered:
.L_overlay_start_0:
0x88: {  	s2 =	sld [smem:$0x3FD9]  }
0x89: {  	s3 =	sld [smem:$0x3FFE];
	_ =	sdelay $0x1  }
0x8a: {  	s1 =	srdreg.scid  }
0x8b: {  	s0 =	sand.u32 $0x1, s1  }
0x8c: {  	s18 =	sshll.u32 s0, $0xA;
	s2 =	sadd.s32 s3, s2  }
0x8d: {  	s2 =	sadd.s32 s2, s18  }
0x8e: {  	[smem:$0x3FC7] =	sst s2  }
0x8f: {  	_ = 	snop  }
0x90: {  	s2 =	sld [smem:$0x3FC9]  }
0x91: {  	s19 =	sld [smem:$0x3FD0];
	(tm) =	ssettm $0x1  }
0x92: {  	s4 =	sld [smem:$0x3FFB];
	_ =	sdelay $0x3  }
0x93: {  	_ =	strace s4  }
0x94: {  	s4 =	sld [smem:$0x3FFC];
	_ =	sdelay $0x3  }
0x95: {  	_ =	strace s4  }
0x96: {  	s4 =	sld [smem:$0x3FFD];
	_ =	sdelay $0x3  }
0x97: {  	_ =	strace s4  }
0x98: {  	_ =	strace $0x8FFFFFFF  }
0x99: {  	s20 =	sld [smem:$0x3FDB];
	_ =	sdelay $0x1  }
0x9a: {  	s5 =	simm.s32 $_scs_section_size  }
0x9b: {  	s6 =	simm.s32 $_size__tile_overlayer_lowered;
	s7 =	simm.s32 $_tile_overlayer_lowered  }
0x9c: {  	s23 =	simm.s32 $0x1BFF;
	s22 =	sshll.u32 s7, $0x1;
	s4 =	sadd.s32 s5, s20  }
0x9d: {  	s8 =	simm.s32 $0x0;
	s21 =	sshll.u32 s6, $0x1;
	s6 =	sadd.s32 s22, s4  }
0x9e: {  	[timem:s8], [sflag:s23] =	dma.local [hbm:s6], s21  }
0x9f: {  	_ =	swait.ge [sflag:s23], s21  }
0xa0: {  	s5 =	ssub.s32 $0x0, s21;
	[sflag:s23] =	ssyncset.done $0x0  }
0xa1: {  	[sflag:s23] =	ssyncadd.s32 s5;
	_ =	sdelay $0x1  }
0xa2: {  	s24 =	simm.s32 $0x1B8B  }
0xa3: {  	_ =	swait.ge [sflag:s24], $0x1  }
0xa4: {  	[sflag:s24] =	ssyncset.done $0x0  }
0xa5: {  	s25 =	simm.s32 $0x1B8E;
	[sflag:s24] =	ssyncadd.s32 $0xFFFFFFFF  }
0xa6: {  	s26 =	simm.s32 $execute0_lowered;
	[smem:$0x3FD2] =	sst s25  }
0xa7: {  	s5 =	sshll.u32 s26, $0x1;
	_ =	strace $0x80000046;
	[dreg:$0x1] =	wrdreg $0xFFFFFFFF  }
0xa8: {  	s28 =	simm.s32 $_size_execute0_lowered;
	s4 =	sadd.s32 s4, s5;
	[dreg:$0x0] =	wrdreg $0x0  }
0xa9: {  	s5 =	sshll.u32 s28, $0x1;
	[dreg:$0x2] =	wrdreg s4  }
0xaa: {  	[dreg:$0x3] =	wrdreg s5  }
0xab: {  	[dreg:$0x4] =	wrdreg $0xC0  }
0xac: {  	_ =	task [dreg:s8], $0x5FFFF  }
0xad: {  	[dreg:$0x1] =	wrdreg $0xFFFFFFFF  }
0xae: {  	[dreg:$0x0] =	wrdreg $0x60  }
0xaf: {  	[dreg:$0x2] =	wrdreg s2  }
0xb0: {  	[dreg:$0x3] =	wrdreg s19  }
0xb1: {  	[dreg:$0x4] =	wrdreg $0x9  }
0xb2: {  	_ =	task.clear_ibuf [dreg:s8], $0x5FFFF;
	_ =	strace $0x90000046  }
0xb3: {  	s29 =	simm.s32 $0x9;
	_ =	strace $0x80000048  }
0xb4: {  	_ =	swait.ge [sflag:s29], $0x1  }
0xb5: {  	[sflag:s29] =	ssyncadd.s32 $0xFFFFFFFF  }
0xb6: {  	_ =	strace $0x90000048  }
0xb7: {  	_ =	sfence  }
0xb8: {  	s30 =	sld [smem:$0x0];
	_ =	sdelay $0x2  }
0xb9: {  	s31 =	sshll.u32 s1, $0xD;
	s1 =	sshrl.u32 s1, $0x2  }
0xba: {  	s3 =	sand.u32 $0x4000, s31;
	s1 =	sadd.s32 s1, s30  }
0xbb: {  	s0 =	sor.u32 s3, s0;
	s1 =	sshll.u32 s1, $0x11  }
0xbc: {  	s0 =	sor.u32 s1, s0  }
0xbd: {  	s0 =	sadd.s32 $0x8F2B, s0  }
0xbe: {  	[sflag:s0] =	ssyncadd.remote.s32 $0x1  }
0xbf: {  	_ =	sfence.sel $0xFFFF  }
0xc0: {  	[dreg:$0x0] =	wrdreg $0xFFFFFFFF;
	(pc) =	sbr.abs _section_cstart, $3  }
0xc1: {  	[dreg:$0x1] =	wrdreg $0xFFFFFFFF  }
0xc2: {  	_ =	task.clear_ibuf [dreg:s8], $0x2FFFF;
	_ =	strace $0x9FFFFFFF  }
0xc3: {  	(tm) =	ssettm $0x7FFFFFFF  }
tec
execute0_lowered:
.L_overlay_start_1:
0x0: {  	(tag) =	ssettag $0x1  }
0x1: {  	s8 =	rddreg [dreg:$0x0]  }
0x2: {  	s17 =	rddreg [dreg:$0x1];
	s2 =	srdreg.scid  }
0x3: {  	s0 =	rddreg [dreg:$0x2];
	s1 =	stileid.u32;
	s20 =	sand.u32 $0x1, s2  }
0x4: {  	s2 =	simm.s32 $0x0;
	s3 =	sshll.u32 s1, $0xE;
	s4 =	sshll.u32 s20, $0xD  }
0x5: {  	[smem:$0x7FF] =	sst s2;
	s11 =	sor.u32 s4, s3  }
0x6: {  	_ =	strace $0x80000047;
	s3 =	sadd.s32 s8, s11;
	s13 =	sor.u32 $0x800, s11  }
0x7: {  	[tilespmem:s2], [sflag:$0x1] =	stream.linear.gather [hbm4b:s3+s2], $0x4000, $0x38;
	[tilespmem:$0x10000] =	vst v63  }
0x8: {  	s5 =	simm.s32 $0x4000;
	s15 =	sor.u32 $0x1000, s11;
	s4 =	sadd.s32 s8, s13  }
0x9: {  	[tilespmem:s5], [sflag:$0x2] =	stream.linear.gather [hbm4b:s4+s2], $0x4000, $0x38;
	[tilespmem:$0x10000] =	vst v63  }
0xa: {  	s7 =	simm.s32 $0x8000;
	s18 =	sor.u32 $0x1800, s11;
	s6 =	sadd.s32 s8, s15  }
0xb: {  	[tilespmem:s7], [sflag:$0x3] =	stream.linear.gather [hbm4b:s6+s2], $0x4000, $0x38;
	[tilespmem:$0x10000] =	vst v63  }
0xc: {  	s9 =	simm.s32 $0xC000;
	s10 =	simm.s32 $0x1;
	s8 =	sadd.s32 s8, s18  }
0xd: {  	[tilespmem:s9], [sflag:$0x4] =	stream.linear.gather [hbm4b:s8+s2], $0x4000, $0x38;
	[tilespmem:$0x10000] =	vst v63  }
0xe: {  	_ =	swait.ge [sflag:s10], $0x4000  }
0xf: {  	[sflag:s10] =	ssyncset.done $0x0  }
0x10: {  	s12 =	simm.s32 $0x2;
	s11 =	sadd.s32 s17, s11;
	[sflag:s10] =	ssyncadd.s32 $0xFFFFC000  }
0x11: {  	[hbm4b:s11+s2] =	stream.linear.scatter [tilespmem:s2], [sflag:$0x5], $0x4000, $0x38;
	[tilespmem:$0x10000] =	vst v63  }
0x12: {  	_ =	swait.ge [sflag:s12], $0x4000  }
0x13: {  	[sflag:s12] =	ssyncset.done $0x0  }
0x14: {  	s14 =	simm.s32 $0x3;
	s13 =	sadd.s32 s17, s13;
	[sflag:s12] =	ssyncadd.s32 $0xFFFFC000  }
0x15: {  	[hbm4b:s13+s2] =	stream.linear.scatter [tilespmem:s5], [sflag:$0x6], $0x4000, $0x38;
	[tilespmem:$0x10000] =	vst v63  }
0x16: {  	_ =	swait.ge [sflag:s14], $0x4000  }
0x17: {  	[sflag:s14] =	ssyncset.done $0x0  }
0x18: {  	s16 =	simm.s32 $0x4;
	s15 =	sadd.s32 s17, s15;
	[sflag:s14] =	ssyncadd.s32 $0xFFFFC000  }
0x19: {  	[hbm4b:s15+s2] =	stream.linear.scatter [tilespmem:s7], [sflag:$0x7], $0x4000, $0x38;
	[tilespmem:$0x10000] =	vst v63  }
0x1a: {  	_ =	swait.ge [sflag:s16], $0x4000  }
0x1b: {  	[sflag:s16] =	ssyncset.done $0x0  }
0x1c: {  	s17 =	sadd.s32 s17, s18;
	s18 =	simm.s32 $0x5;
	[sflag:s16] =	ssyncadd.s32 $0xFFFFC000  }
0x1d: {  	[hbm4b:s17+s2] =	stream.linear.scatter [tilespmem:s9], [sflag:$0x8], $0x4000, $0x38;
	[tilespmem:$0x10000] =	vst v63  }
0x1e: {  	_ =	swait.ge [sflag:s18], $0x4000  }
0x1f: {  	s21 =	ssub.s32 $0x2, s20;
	[sflag:s18] =	ssyncset.done $0x0  }
0x20: {  	s19 =	simm.s32 $0x6;
	s22 =	sshrl.u32 s21, $0x1;
	[sflag:s18] =	ssyncadd.s32 $0xFFFFC000  }
0x21: {  	s21 =	ssub.s32 s21, s22;
	_ =	swait.ge [sflag:s19], $0x4000  }
0x22: {  	s22 =	smax.u32 s21, $0x1;
	[sflag:s19] =	ssyncset.done $0x0  }
0x23: {  	s20 =	simm.s32 $0x7;
	p0 =	sne.s32 s22, $0x1;
	[sflag:s19] =	ssyncadd.s32 $0xFFFFC000  }
.Ltmp0:
0x24: {  	_ =	swait.ge [sflag:s20], $0x4000;
	(pc) =	sbr.rel @!p0 .LBB2_2-.Ltmp0, $4  }
0x25: {  	[sflag:s20] =	ssyncset.done $0x0  }
0x26: {  	s21 =	simm.s32 $0x8;
	[sflag:s20] =	ssyncadd.s32 $0xFFFFC000  }
0x27: {  	_ =	swait.ge [sflag:s21], $0x4000  }
0x28: {  	s22 =	sadd.s32 $0xFFFFFFFF, s22;
	[sflag:s21] =	ssyncset.done $0x0  }
.LBB2_1:
0x29: {  	p0 =	sne.s32 s22, $0x1;
	s22 =	sadd.s32 $0xFFFFFFFF, s22;
	[sflag:s21] =	ssyncadd.s32 $0xFFFFC000  }
0x2a: {  	[tilespmem:s2], [sflag:$0x1] =	stream.linear.gather [hbm4b:s3+s2], $0x4000, $0x38;
	[tilespmem:$0x10000] =	vst v63  }
0x2b: {  	_ = 	snop  }
0x2c: {  	[tilespmem:s5], [sflag:$0x2] =	stream.linear.gather [hbm4b:s4+s2], $0x4000, $0x38;
	[tilespmem:$0x10000] =	vst v63  }
0x2d: {  	_ = 	snop  }
0x2e: {  	[tilespmem:s7], [sflag:$0x3] =	stream.linear.gather [hbm4b:s6+s2], $0x4000, $0x38;
	[tilespmem:$0x10000] =	vst v63  }
0x2f: {  	_ = 	snop  }
0x30: {  	[tilespmem:s9], [sflag:$0x4] =	stream.linear.gather [hbm4b:s8+s2], $0x4000, $0x38;
	[tilespmem:$0x10000] =	vst v63  }
0x31: {  	_ =	swait.ge [sflag:s10], $0x4000  }
0x32: {  	[sflag:s10] =	ssyncset.done $0x0  }
0x33: {  	[sflag:s10] =	ssyncadd.s32 $0xFFFFC000  }
0x34: {  	[hbm4b:s11+s2] =	stream.linear.scatter [tilespmem:s2], [sflag:$0x5], $0x4000, $0x38;
	[tilespmem:$0x10000] =	vst v63  }
0x35: {  	_ =	swait.ge [sflag:s12], $0x4000  }
0x36: {  	[sflag:s12] =	ssyncset.done $0x0  }
0x37: {  	[sflag:s12] =	ssyncadd.s32 $0xFFFFC000  }
0x38: {  	[hbm4b:s13+s2] =	stream.linear.scatter [tilespmem:s5], [sflag:$0x6], $0x4000, $0x38;
	[tilespmem:$0x10000] =	vst v63  }
0x39: {  	_ =	swait.ge [sflag:s14], $0x4000  }
0x3a: {  	[sflag:s14] =	ssyncset.done $0x0  }
0x3b: {  	[sflag:s14] =	ssyncadd.s32 $0xFFFFC000  }
0x3c: {  	[hbm4b:s15+s2] =	stream.linear.scatter [tilespmem:s7], [sflag:$0x7], $0x4000, $0x38;
	[tilespmem:$0x10000] =	vst v63  }
0x3d: {  	_ =	swait.ge [sflag:s16], $0x4000  }
0x3e: {  	[sflag:s16] =	ssyncset.done $0x0  }
0x3f: {  	[sflag:s16] =	ssyncadd.s32 $0xFFFFC000  }
0x40: {  	[hbm4b:s17+s2] =	stream.linear.scatter [tilespmem:s9], [sflag:$0x8], $0x4000, $0x38;
	[tilespmem:$0x10000] =	vst v63  }
0x41: {  	_ =	swait.ge [sflag:s18], $0x4000  }
0x42: {  	[sflag:s18] =	ssyncset.done $0x0  }
0x43: {  	[sflag:s18] =	ssyncadd.s32 $0xFFFFC000  }
0x44: {  	_ =	swait.ge [sflag:s19], $0x4000  }
0x45: {  	[sflag:s19] =	ssyncset.done $0x0  }
0x46: {  	[sflag:s19] =	ssyncadd.s32 $0xFFFFC000  }
.Ltmp1:
0x47: {  	_ =	swait.ge [sflag:s20], $0x4000;
	(pc) =	sbr.rel @p0 .LBB2_1-.Ltmp1, $4  }
0x48: {  	[sflag:s20] =	ssyncset.done $0x0  }
0x49: {  	[sflag:s20] =	ssyncadd.s32 $0xFFFFC000  }
0x4a: {  	_ =	swait.ge [sflag:s21], $0x4000  }
0x4b: {  	[sflag:s21] =	ssyncset.done $0x0  }
.LBB2_2:
0x4c: {  	[sflag:s21] =	ssyncadd.s32 $0xFFFFC000  }
0x4d: {  	_ =	sfence.sel $0x180000  }
0x4e: {  	[bflag:$0x0] =	sbarrier.arrive $0xFFFF  }
0x4f: {  	p0 =	sne.s32 s1, $0x0;
	_ =	strace $0x90000047  }
0x50: {  	s0 =	sadd.s32 @!p0 $0x100000, s0;
	[bflag:$0x2] =	sbarrier.arrive $0xFFFF  }
0x51: {  	[sflag:s0] =	ssyncadd.tile.s32 @!p0 $0x1;
	_ =	shalt  }
.Lfunc_end2:
_tile_overlayer_lowered:
.L_overlay_start_2:
0x52: {  	(tag) =	ssettag $0x2  }
0x53: {  	s0 =	rddreg [dreg:$0x0];
	s2 =	stileid.u32  }
0x54: {  	s1 =	rddreg [dreg:$0x1];
	p0 =	sne.s32 s2, $0x0  }
0x55: {  	s3 =	rddreg [dreg:$0x2];
	[bflag:$0x3] =	sbarrier.arrive $0xFFFF;
	s2 =	simm.s32 @!p0 $0x1C09  }
0x56: {  	[timem:s3], [sflag:s2] =	dma.local @!p0 [hbm:s0], s1  }
0x57: {  	s0 =	simm.s32 @!p0 $0x9  }
0x58: {  	_ =	swait.ge @!p0 [sflag:s0], s1  }
0x59: {  	s1 =	ssub.s32 @!p0 $0x0, s1;
	[sflag:s0] =	ssyncset.done @!p0 $0x0  }
0x5a: {  	[sflag:s0] =	ssyncadd.s32 @!p0 s1  }
0x5b: {  	[bflag:$0x3] =	sbarrier.arrive $0xFFFF  }
0x5c: {  	_ =	shalt  }

</sc_bundles>
